<compile_context>
chip_gen: v7x
topology: tpu7x:2x2x1
jax: 0.10.2.dev20260603
libtpu: 0.0.44.dev20260713+nightly
codegen_flags: <defaults>
</compile_context>

<pallas_src>
import functools

import jax
import jax.numpy as jnp
from jax import lax
from jax.experimental import pallas as pl
from jax.experimental.pallas import tpu as pltpu
from jax.experimental.pallas import tpu_sc as plsc

_L = 16


def _lane_allsum(v):
    iota = lax.iota(jnp.int32, _L)
    dnums = lax.GatherDimensionNumbers(
        offset_dims=(), collapsed_slice_dims=(0,), start_index_map=(0,))
    for sh in (1, 2, 4, 8):
        idx = lax.bitwise_xor(iota, jnp.int32(sh))
        v = v + lax.gather(v, idx[:, None], dnums, slice_sizes=(1,),
                           mode=lax.GatherScatterMode.PROMISE_IN_BOUNDS)
    return v


@functools.cache
def _kappa_sc(n: int):
    n_full = n // _L
    rem = n - n_full * _L
    mesh = plsc.VectorSubcoreMesh(
        core_axis_name="c", subcore_axis_name="s", num_cores=1)

    @functools.partial(
        pl.kernel,
        mesh=mesh,
        out_type=jax.ShapeDtypeStruct((1,), jnp.float32),
        scratch_types=[
            pltpu.VMEM((n,), jnp.int32),
            pltpu.VMEM((n,), jnp.int32),
            pltpu.VMEM((_L,), jnp.float32),
            pltpu.SemaphoreType.DMA,
            pltpu.SemaphoreType.DMA,
        ],
    )
    def kern(pred_hbm, gt_hbm, out_hbm, pred_v, gt_v, out_v, sem_p, sem_g):
        wid = lax.axis_index("s")

        @pl.when(wid == 0)
        def _():
            cp_p = pltpu.async_copy(pred_hbm, pred_v, sem_p)
            cp_g = pltpu.async_copy(gt_hbm, gt_v, sem_g)
            cp_p.wait()
            cp_g.wait()
            z = jnp.zeros((_L,), jnp.int32)
            accd, s1g, s1p, s2g, s2p = z, z, z, z, z

            def step(g, p, acc):
                accd, s1g, s1p, s2g, s2p = acc
                d = g - p
                return (accd + d * d, s1g + g, s1p + p,
                        s2g + g * g, s2p + p * p)

            unroll = 4
            n_loop = n_full // unroll

            def body(i, acc):
                base = i * (_L * unroll)
                for j in range(unroll):
                    g = gt_v[pl.ds(base + j * _L, _L)]
                    p = pred_v[pl.ds(base + j * _L, _L)]
                    acc = step(g, p, acc)
                return acc

            acc = lax.fori_loop(
                0, n_loop, body, (accd, s1g, s1p, s2g, s2p))
            for j in range(n_loop * unroll, n_full):
                g = gt_v[pl.ds(j * _L, _L)]
                p = pred_v[pl.ds(j * _L, _L)]
                acc = step(g, p, acc)
            accd, s1g, s1p, s2g, s2p = acc
            if rem:
                mask = lax.iota(jnp.int32, _L) >= jnp.int32(_L - rem)
                g = jnp.where(mask, gt_v[pl.ds(n - _L, _L)], 0)
                p = jnp.where(mask, pred_v[pl.ds(n - _L, _L)], 0)
                accd, s1g, s1p, s2g, s2p = step(
                    g, p, (accd, s1g, s1p, s2g, s2p))

            vd = _lane_allsum(accd).astype(jnp.float32)
            v1g = _lane_allsum(s1g).astype(jnp.float32)
            v1p = _lane_allsum(s1p).astype(jnp.float32)
            v2g = _lane_allsum(s2g).astype(jnp.float32)
            v2p = _lane_allsum(s2p).astype(jnp.float32)
            nf = jnp.float32(n)
            den = nf * (v2g + v2p) - 2.0 * v1g * v1p
            res = 1.0 - nf * vd / den
            out_v[...] = res
            pltpu.sync_copy(out_v.at[pl.ds(0, 1)], out_hbm)

    return kern


def kernel(y_pred, y_gt):
    y_pred = jnp.ravel(y_pred).astype(jnp.int32)
    y_gt = jnp.ravel(y_gt).astype(jnp.int32)
    n = y_gt.shape[0]
    out = _kappa_sc(n)(y_pred, y_gt)
    return jnp.reshape(out, ())

# --- scband reference (transcript-rebuilt; emitter-appended) ---
"""Pipeline reference for scband-quadratic-kappa-55808805044854 (READ-ONLY COPY).

The authoritative reference and input builder live on the scoring server;
editing this copy changes nothing except your own understanding.
"""

import jax, jax.numpy as jnp
import numpy as np


def setup_inputs(seed: int = 0) -> dict:
    key = jax.random.key(seed)
    k1, k2 = jax.random.split(key)
    N = 1000
    y_pred = jax.random.randint(k1, (N,), 0, N)
    y_gt = jax.random.randint(k2, (N,), 0, N)
    return {"y_pred": y_pred, "y_gt": y_gt}


def reference(y_pred, y_gt):
    y_pred = jnp.squeeze(y_pred)
    N = y_gt.shape[0]
    idx = jnp.arange(N, dtype=jnp.float32)
    weight = (idx[:, None] - idx[None, :]) ** 2 / (N - 1) ** 2
    # confusion matrix via scatter-add at (gt, pred) pairs
    confusion_matrix = jnp.zeros((N, N), dtype=jnp.float32).at[y_gt, y_pred].add(1.0)
    # histograms via bincount (fixed length for jit-compat)
    gt_hist = jnp.bincount(y_gt, length=N).astype(jnp.float32)
    pred_hist = jnp.bincount(y_pred, length=N).astype(jnp.float32)
    E = jnp.outer(gt_hist, pred_hist)
    E = E / jnp.sum(E)
    confusion_matrix = confusion_matrix / jnp.sum(confusion_matrix)
    num = jnp.sum(weight * confusion_matrix)
    den = jnp.sum(weight * E)
    return 1.0 - num / den

if __name__ == "__main__":
    import jax
    _d = setup_inputs()
    print(jax.jit(kernel)(*tuple(_d.values())))

</pallas_src>

<mosaic_0001>
#map = affine_map<(d0, d1) -> (0)>
module attributes {stable_mosaic.version = 14 : i64} {
  func.func @kern(%arg0: i32, %arg1: i32, %arg2: memref<1000xi32, #tpu.memory_space<hbm>>, %arg3: memref<1000xi32, #tpu.memory_space<hbm>>, %arg4: memref<1xf32, #tpu.memory_space<hbm>>, %arg5: memref<1000xi32, #tpu.memory_space<vmem>>, %arg6: memref<1000xi32, #tpu.memory_space<vmem>>, %arg7: memref<16xf32, #tpu.memory_space<vmem>>, %arg8: memref<!tpu.dma_semaphore, #tpu.memory_space<semaphore_mem>>, %arg9: memref<!tpu.dma_semaphore, #tpu.memory_space<semaphore_mem>>) attributes {dimension_semantics = [#tpu.dimension_semantics<core_parallel>, #tpu.dimension_semantics<subcore_parallel>], iteration_bounds = array<i64: 1, 16>, scalar_prefetch = 0 : i64, scratch_operands = 5 : i64, tpu.core_type = #tpu.core_type<sc_vector_subcore>, window_params = [{transform_indices = #map}, {transform_indices = #map}, {transform_indices = #map}]} {
    %eq3A = arith.constant 0 : i32
    %eq3A_0 = arith.cmpi eq, %arg1, %eq3A : i32
    %convert_element_type3A = arith.extui %eq3A_0 : i1 to i32
    %cond3A = arith.constant 0 : i32
    %cond3A_1 = arith.cmpi ne, %convert_element_type3A, %cond3A : i32
    scf.if %cond3A_1 {
      tpu.enqueue_dma source(%arg2 : memref<1000xi32, #tpu.memory_space<hbm>>) target(%arg5 : memref<1000xi32, #tpu.memory_space<vmem>>) target_semaphore(%arg8 : memref<!tpu.dma_semaphore, #tpu.memory_space<semaphore_mem>>)
      tpu.enqueue_dma source(%arg3 : memref<1000xi32, #tpu.memory_space<hbm>>) target(%arg6 : memref<1000xi32, #tpu.memory_space<vmem>>) target_semaphore(%arg9 : memref<!tpu.dma_semaphore, #tpu.memory_space<semaphore_mem>>)
      tpu.wait_dma2 semaphore(%arg8 : memref<!tpu.dma_semaphore, #tpu.memory_space<semaphore_mem>>) src(%arg2 : memref<1000xi32, #tpu.memory_space<hbm>>) dst(%arg5 : memref<1000xi32, #tpu.memory_space<vmem>>)
      tpu.wait_dma2 semaphore(%arg9 : memref<!tpu.dma_semaphore, #tpu.memory_space<semaphore_mem>>) src(%arg3 : memref<1000xi32, #tpu.memory_space<hbm>>) dst(%arg6 : memref<1000xi32, #tpu.memory_space<vmem>>)
      %broadcast_in_dim3A = arith.constant 0 : i32
      %broadcast_in_dim3A_2 = vector.broadcast %broadcast_in_dim3A : i32 to vector<16xi32>
      %scan3A = arith.constant 0 : i32
      %scan3A_3 = arith.constant 15 : i32
      %scan3A_4 = arith.addi %scan3A, %scan3A_3 : i32
      %scan3A_5 = arith.constant 1 : i32
      %scan3A_6:5 = scf.for %scan3A_221 = %scan3A to %scan3A_4 step %scan3A_5 iter_args(%scan3A_222 = %broadcast_in_dim3A_2, %scan3A_223 = %broadcast_in_dim3A_2, %scan3A_224 = %broadcast_in_dim3A_2, %scan3A_225 = %broadcast_in_dim3A_2, %scan3A_226 = %broadcast_in_dim3A_2) -> (vector<16xi32>, vector<16xi32>, vector<16xi32>, vector<16xi32>, vector<16xi32>)  : i32 {
        %mul3A_227 = arith.constant 64 : i32
        %mul3A_228 = arith.muli %scan3A_221, %mul3A_227 : i32
        %add3A_229 = arith.constant 0 : i32
        %add3A_230 = arith.addi %mul3A_228, %add3A_229 : i32
        %get3A_231 = arith.index_cast %add3A_230 : i32 to index
        %get3A_232 = tpu.vector_load %arg6[%get3A_231] {strides = array<i32>} : memref<1000xi32, #tpu.memory_space<vmem>>, vector<16xi32>,
        %get3A_233 = vector.shape_cast %get3A_232 : vector<16xi32> to vector<16xi32>
        %add3A_234 = arith.constant 0 : i32
        %add3A_235 = arith.addi %mul3A_228, %add3A_234 : i32
        %get3A_236 = arith.index_cast %add3A_235 : i32 to index
        %get3A_237 = tpu.vector_load %arg5[%get3A_236] {strides = array<i32>} : memref<1000xi32, #tpu.memory_space<vmem>>, vector<16xi32>,
        %get3A_238 = vector.shape_cast %get3A_237 : vector<16xi32> to vector<16xi32>
        %sub3A_239 = arith.subi %get3A_233, %get3A_238 : vector<16xi32>
        %mul3A_240 = arith.muli %sub3A_239, %sub3A_239 : vector<16xi32>
        %add3A_241 = arith.addi %scan3A_222, %mul3A_240 : vector<16xi32>
        %add3A_242 = arith.addi %scan3A_223, %get3A_233 : vector<16xi32>
        %add3A_243 = arith.addi %scan3A_224, %get3A_238 : vector<16xi32>
        %mul3A_244 = arith.muli %get3A_233, %get3A_233 : vector<16xi32>
        %add3A_245 = arith.addi %scan3A_225, %mul3A_244 : vector<16xi32>
        %mul3A_246 = arith.muli %get3A_238, %get3A_238 : vector<16xi32>
        %add3A_247 = arith.addi %scan3A_226, %mul3A_246 : vector<16xi32>
        %add3A_248 = arith.constant 16 : i32
        %add3A_249 = arith.addi %mul3A_228, %add3A_248 : i32
        %get3A_250 = arith.index_cast %add3A_249 : i32 to index
        %get3A_251 = tpu.vector_load %arg6[%get3A_250] {strides = array<i32>} : memref<1000xi32, #tpu.memory_space<vmem>>, vector<16xi32>,
        %get3A_252 = vector.shape_cast %get3A_251 : vector<16xi32> to vector<16xi32>
        %add3A_253 = arith.constant 16 : i32
        %add3A_254 = arith.addi %mul3A_228, %add3A_253 : i32
        %get3A_255 = arith.index_cast %add3A_254 : i32 to index
        %get3A_256 = tpu.vector_load %arg5[%get3A_255] {strides = array<i32>} : memref<1000xi32, #tpu.memory_space<vmem>>, vector<16xi32>,
        %get3A_257 = vector.shape_cast %get3A_256 : vector<16xi32> to vector<16xi32>
        %sub3A_258 = arith.subi %get3A_252, %get3A_257 : vector<16xi32>
        %mul3A_259 = arith.muli %sub3A_258, %sub3A_258 : vector<16xi32>
        %add3A_260 = arith.addi %add3A_241, %mul3A_259 : vector<16xi32>
        %add3A_261 = arith.addi %add3A_242, %get3A_252 : vector<16xi32>
        %add3A_262 = arith.addi %add3A_243, %get3A_257 : vector<16xi32>
        %mul3A_263 = arith.muli %get3A_252, %get3A_252 : vector<16xi32>
        %add3A_264 = arith.addi %add3A_245, %mul3A_263 : vector<16xi32>
        %mul3A_265 = arith.muli %get3A_257, %get3A_257 : vector<16xi32>
        %add3A_266 = arith.addi %add3A_247, %mul3A_265 : vector<16xi32>
        %add3A_267 = arith.constant 32 : i32
        %add3A_268 = arith.addi %mul3A_228, %add3A_267 : i32
        %get3A_269 = arith.index_cast %add3A_268 : i32 to index
        %get3A_270 = tpu.vector_load %arg6[%get3A_269] {strides = array<i32>} : memref<1000xi32, #tpu.memory_space<vmem>>, vector<16xi32>,
        %get3A_271 = vector.shape_cast %get3A_270 : vector<16xi32> to vector<16xi32>
        %add3A_272 = arith.constant 32 : i32
        %add3A_273 = arith.addi %mul3A_228, %add3A_272 : i32
        %get3A_274 = arith.index_cast %add3A_273 : i32 to index
        %get3A_275 = tpu.vector_load %arg5[%get3A_274] {strides = array<i32>} : memref<1000xi32, #tpu.memory_space<vmem>>, vector<16xi32>,
        %get3A_276 = vector.shape_cast %get3A_275 : vector<16xi32> to vector<16xi32>
        %sub3A_277 = arith.subi %get3A_271, %get3A_276 : vector<16xi32>
        %mul3A_278 = arith.muli %sub3A_277, %sub3A_277 : vector<16xi32>
        %add3A_279 = arith.addi %add3A_260, %mul3A_278 : vector<16xi32>
        %add3A_280 = arith.addi %add3A_261, %get3A_271 : vector<16xi32>
        %add3A_281 = arith.addi %add3A_262, %get3A_276 : vector<16xi32>
        %mul3A_282 = arith.muli %get3A_271, %get3A_271 : vector<16xi32>
        %add3A_283 = arith.addi %add3A_264, %mul3A_282 : vector<16xi32>
        %mul3A_284 = arith.muli %get3A_276, %get3A_276 : vector<16xi32>
        %add3A_285 = arith.addi %add3A_266, %mul3A_284 : vector<16xi32>
        %add3A_286 = arith.constant 48 : i32
        %add3A_287 = arith.addi %mul3A_228, %add3A_286 : i32
        %get3A_288 = arith.index_cast %add3A_287 : i32 to index
        %get3A_289 = tpu.vector_load %arg6[%get3A_288] {strides = array<i32>} : memref<1000xi32, #tpu.memory_space<vmem>>, vector<16xi32>,
        %get3A_290 = vector.shape_cast %get3A_289 : vector<16xi32> to vector<16xi32>
        %add3A_291 = arith.constant 48 : i32
        %add3A_292 = arith.addi %mul3A_228, %add3A_291 : i32
        %get3A_293 = arith.index_cast %add3A_292 : i32 to index
        %get3A_294 = tpu.vector_load %arg5[%get3A_293] {strides = array<i32>} : memref<1000xi32, #tpu.memory_space<vmem>>, vector<16xi32>,
        %get3A_295 = vector.shape_cast %get3A_294 : vector<16xi32> to vector<16xi32>
        %sub3A_296 = arith.subi %get3A_290, %get3A_295 : vector<16xi32>
        %mul3A_297 = arith.muli %sub3A_296, %sub3A_296 : vector<16xi32>
        %add3A_298 = arith.addi %add3A_279, %mul3A_297 : vector<16xi32>
        %add3A_299 = arith.addi %add3A_280, %get3A_290 : vector<16xi32>
        %add3A_300 = arith.addi %add3A_281, %get3A_295 : vector<16xi32>
        %mul3A_301 = arith.muli %get3A_290, %get3A_290 : vector<16xi32>
        %add3A_302 = arith.addi %add3A_283, %mul3A_301 : vector<16xi32>
        %mul3A_303 = arith.muli %get3A_295, %get3A_295 : vector<16xi32>
        %add3A_304 = arith.addi %add3A_285, %mul3A_303 : vector<16xi32>
        scf.yield %add3A_298, %add3A_299, %add3A_300, %add3A_302, %add3A_304 : vector<16xi32>, vector<16xi32>, vector<16xi32>, vector<16xi32>, vector<16xi32>
      }
      %scan3A_7 = arith.constant 15 : i32
      %get3A = arith.constant 960 : index
      %get3A_8 = tpu.vector_load %arg6[%get3A] {strides = array<i32>} : memref<1000xi32, #tpu.memory_space<vmem>>, vector<16xi32>,
      %get3A_9 = vector.shape_cast %get3A_8 : vector<16xi32> to vector<16xi32>
      %get3A_10 = arith.constant 960 : index
      %get3A_11 = tpu.vector_load %arg5[%get3A_10] {strides = array<i32>} : memref<1000xi32, #tpu.memory_space<vmem>>, vector<16xi32>,
      %get3A_12 = vector.shape_cast %get3A_11 : vector<16xi32> to vector<16xi32>
      %sub3A = arith.subi %get3A_9, %get3A_12 : vector<16xi32>
      %mul3A = arith.muli %sub3A, %sub3A : vector<16xi32>
      %add3A = arith.addi %scan3A_6#0, %mul3A : vector<16xi32>
      %add3A_13 = arith.addi %scan3A_6#1, %get3A_9 : vector<16xi32>
      %add3A_14 = arith.addi %scan3A_6#2, %get3A_12 : vector<16xi32>
      %mul3A_15 = arith.muli %get3A_9, %get3A_9 : vector<16xi32>
      %add3A_16 = arith.addi %scan3A_6#3, %mul3A_15 : vector<16xi32>
      %mul3A_17 = arith.muli %get3A_12, %get3A_12 : vector<16xi32>
      %add3A_18 = arith.addi %scan3A_6#4, %mul3A_17 : vector<16xi32>
      %get3A_19 = arith.constant 976 : index
      %get3A_20 = tpu.vector_load %arg6[%get3A_19] {strides = array<i32>} : memref<1000xi32, #tpu.memory_space<vmem>>, vector<16xi32>,
      %get3A_21 = vector.shape_cast %get3A_20 : vector<16xi32> to vector<16xi32>
      %get3A_22 = arith.constant 976 : index
      %get3A_23 = tpu.vector_load %arg5[%get3A_22] {strides = array<i32>} : memref<1000xi32, #tpu.memory_space<vmem>>, vector<16xi32>,
      %get3A_24 = vector.shape_cast %get3A_23 : vector<16xi32> to vector<16xi32>
      %sub3A_25 = arith.subi %get3A_21, %get3A_24 : vector<16xi32>
      %mul3A_26 = arith.muli %sub3A_25, %sub3A_25 : vector<16xi32>
      %add3A_27 = arith.addi %add3A, %mul3A_26 : vector<16xi32>
      %add3A_28 = arith.addi %add3A_13, %get3A_21 : vector<16xi32>
      %add3A_29 = arith.addi %add3A_14, %get3A_24 : vector<16xi32>
      %mul3A_30 = arith.muli %get3A_21, %get3A_21 : vector<16xi32>
      %add3A_31 = arith.addi %add3A_16, %mul3A_30 : vector<16xi32>
      %mul3A_32 = arith.muli %get3A_24, %get3A_24 : vector<16xi32>
      %add3A_33 = arith.addi %add3A_18, %mul3A_32 : vector<16xi32>
      %iota3A = tpu.iota {dimensions = array<i32: 0>} : vector<16xi32>
      %ge3A = arith.constant 8 : i32
      %ge3A_34 = vector.broadcast %ge3A : i32 to vector<16xi32>
      %ge3A_35 = arith.cmpi sge, %iota3A, %ge3A_34 : vector<16xi32>
      %get3A_36 = arith.constant 984 : index
      %get3A_37 = tpu.vector_load %arg6[%get3A_36] {strides = array<i32>} : memref<1000xi32, #tpu.memory_space<vmem>>, vector<16xi32>,
      %get3A_38 = vector.shape_cast %get3A_37 : vector<16xi32> to vector<16xi32>
      %jit3A = arith.constant 0 : i32
      %broadcast_in_dim3A_39 = vector.broadcast %jit3A : i32 to vector<16xi32>
      %select_n3A = arith.select %ge3A_35, %get3A_38, %broadcast_in_dim3A_39 : vector<16xi1>, vector<16xi32>
      %get3A_40 = arith.constant 984 : index
      %get3A_41 = tpu.vector_load %arg5[%get3A_40] {strides = array<i32>} : memref<1000xi32, #tpu.memory_space<vmem>>, vector<16xi32>,
      %get3A_42 = vector.shape_cast %get3A_41 : vector<16xi32> to vector<16xi32>
      %jit3A_43 = arith.constant 0 : i32
      %broadcast_in_dim3A_44 = vector.broadcast %jit3A_43 : i32 to vector<16xi32>
      %select_n3A_45 = arith.select %ge3A_35, %get3A_42, %broadcast_in_dim3A_44 : vector<16xi1>, vector<16xi32>
      %sub3A_46 = arith.subi %select_n3A, %select_n3A_45 : vector<16xi32>
      %mul3A_47 = arith.muli %sub3A_46, %sub3A_46 : vector<16xi32>
      %add3A_48 = arith.addi %add3A_27, %mul3A_47 : vector<16xi32>
      %add3A_49 = arith.addi %add3A_28, %select_n3A : vector<16xi32>
      %add3A_50 = arith.addi %add3A_29, %select_n3A_45 : vector<16xi32>
      %mul3A_51 = arith.muli %select_n3A, %select_n3A : vector<16xi32>
      %add3A_52 = arith.addi %add3A_31, %mul3A_51 : vector<16xi32>
      %mul3A_53 = arith.muli %select_n3A_45, %select_n3A_45 : vector<16xi32>
      %add3A_54 = arith.addi %add3A_33, %mul3A_53 : vector<16xi32>
      %iota3A_55 = tpu.iota {dimensions = array<i32: 0>} : vector<16xi32>
      %xor3A = arith.constant 1 : i32
      %xor3A_56 = vector.broadcast %xor3A : i32 to vector<16xi32>
      %xor3A_57 = arith.xori %iota3A_55, %xor3A_56 : vector<16xi32>
      %broadcast_in_dim3A_58 = vector.shape_cast %xor3A_57 : vector<16xi32> to vector<16x1xi32>
      %gather3A = vector.shape_cast %broadcast_in_dim3A_58 : vector<16x1xi32> to vector<16xi32>
      %gather3A_59 = tpu.dynamic_gather %add3A_48[%gather3A] in [0] : vector<16xi32>, vector<16xi32> -> vector<16xi32>
      %add3A_60 = arith.addi %add3A_48, %gather3A_59 : vector<16xi32>
      %xor3A_61 = arith.constant 2 : i32
      %xor3A_62 = vector.broadcast %xor3A_61 : i32 to vector<16xi32>
      %xor3A_63 = arith.xori %iota3A_55, %xor3A_62 : vector<16xi32>
      %broadcast_in_dim3A_64 = vector.shape_cast %xor3A_63 : vector<16xi32> to vector<16x1xi32>
      %gather3A_65 = vector.shape_cast %broadcast_in_dim3A_64 : vector<16x1xi32> to vector<16xi32>
      %gather3A_66 = tpu.dynamic_gather %add3A_60[%gather3A_65] in [0] : vector<16xi32>, vector<16xi32> -> vector<16xi32>
      %add3A_67 = arith.addi %add3A_60, %gather3A_66 : vector<16xi32>
      %xor3A_68 = arith.constant 4 : i32
      %xor3A_69 = vector.broadcast %xor3A_68 : i32 to vector<16xi32>
      %xor3A_70 = arith.xori %iota3A_55, %xor3A_69 : vector<16xi32>
      %broadcast_in_dim3A_71 = vector.shape_cast %xor3A_70 : vector<16xi32> to vector<16x1xi32>
      %gather3A_72 = vector.shape_cast %broadcast_in_dim3A_71 : vector<16x1xi32> to vector<16xi32>
      %gather3A_73 = tpu.dynamic_gather %add3A_67[%gather3A_72] in [0] : vector<16xi32>, vector<16xi32> -> vector<16xi32>
      %add3A_74 = arith.addi %add3A_67, %gather3A_73 : vector<16xi32>
      %xor3A_75 = arith.constant 8 : i32
      %xor3A_76 = vector.broadcast %xor3A_75 : i32 to vector<16xi32>
      %xor3A_77 = arith.xori %iota3A_55, %xor3A_76 : vector<16xi32>
      %broadcast_in_dim3A_78 = vector.shape_cast %xor3A_77 : vector<16xi32> to vector<16x1xi32>
      %gather3A_79 = vector.shape_cast %broadcast_in_dim3A_78 : vector<16x1xi32> to vector<16xi32>
      %gather3A_80 = tpu.dynamic_gather %add3A_74[%gather3A_79] in [0] : vector<16xi32>, vector<16xi32> -> vector<16xi32>
      %add3A_81 = arith.addi %add3A_74, %gather3A_80 : vector<16xi32>
      %convert_element_type3A_82 = arith.sitofp %add3A_81 : vector<16xi32> to vector<16xf32>
      %iota3A_83 = tpu.iota {dimensions = array<i32: 0>} : vector<16xi32>
      %xor3A_84 = arith.constant 1 : i32
      %xor3A_85 = vector.broadcast %xor3A_84 : i32 to vector<16xi32>
      %xor3A_86 = arith.xori %iota3A_83, %xor3A_85 : vector<16xi32>
      %broadcast_in_dim3A_87 = vector.shape_cast %xor3A_86 : vector<16xi32> to vector<16x1xi32>
      %gather3A_88 = vector.shape_cast %broadcast_in_dim3A_87 : vector<16x1xi32> to vector<16xi32>
      %gather3A_89 = tpu.dynamic_gather %add3A_49[%gather3A_88] in [0] : vector<16xi32>, vector<16xi32> -> vector<16xi32>
      %add3A_90 = arith.addi %add3A_49, %gather3A_89 : vector<16xi32>
      %xor3A_91 = arith.constant 2 : i32
      %xor3A_92 = vector.broadcast %xor3A_91 : i32 to vector<16xi32>
      %xor3A_93 = arith.xori %iota3A_83, %xor3A_92 : vector<16xi32>
      %broadcast_in_dim3A_94 = vector.shape_cast %xor3A_93 : vector<16xi32> to vector<16x1xi32>
      %gather3A_95 = vector.shape_cast %broadcast_in_dim3A_94 : vector<16x1xi32> to vector<16xi32>
      %gather3A_96 = tpu.dynamic_gather %add3A_90[%gather3A_95] in [0] : vector<16xi32>, vector<16xi32> -> vector<16xi32>
      %add3A_97 = arith.addi %add3A_90, %gather3A_96 : vector<16xi32>
      %xor3A_98 = arith.constant 4 : i32
      %xor3A_99 = vector.broadcast %xor3A_98 : i32 to vector<16xi32>
      %xor3A_100 = arith.xori %iota3A_83, %xor3A_99 : vector<16xi32>
      %broadcast_in_dim3A_101 = vector.shape_cast %xor3A_100 : vector<16xi32> to vector<16x1xi32>
      %gather3A_102 = vector.shape_cast %broadcast_in_dim3A_101 : vector<16x1xi32> to vector<16xi32>
      %gather3A_103 = tpu.dynamic_gather %add3A_97[%gather3A_102] in [0] : vector<16xi32>, vector<16xi32> -> vector<16xi32>
      %add3A_104 = arith.addi %add3A_97, %gather3A_103 : vector<16xi32>
      %xor3A_105 = arith.constant 8 : i32
      %xor3A_106 = vector.broadcast %xor3A_105 : i32 to vector<16xi32>
      %xor3A_107 = arith.xori %iota3A_83, %xor3A_106 : vector<16xi32>
      %broadcast_in_dim3A_108 = vector.shape_cast %xor3A_107 : vector<16xi32> to vector<16x1xi32>
      %gather3A_109 = vector.shape_cast %broadcast_in_dim3A_108 : vector<16x1xi32> to vector<16xi32>
      %gather3A_110 = tpu.dynamic_gather %add3A_104[%gather3A_109] in [0] : vector<16xi32>, vector<16xi32> -> vector<16xi32>
      %add3A_111 = arith.addi %add3A_104, %gather3A_110 : vector<16xi32>
      %convert_element_type3A_112 = arith.sitofp %add3A_111 : vector<16xi32> to vector<16xf32>
      %iota3A_113 = tpu.iota {dimensions = array<i32: 0>} : vector<16xi32>
      %xor3A_114 = arith.constant 1 : i32
      %xor3A_115 = vector.broadcast %xor3A_114 : i32 to vector<16xi32>
      %xor3A_116 = arith.xori %iota3A_113, %xor3A_115 : vector<16xi32>
      %broadcast_in_dim3A_117 = vector.shape_cast %xor3A_116 : vector<16xi32> to vector<16x1xi32>
      %gather3A_118 = vector.shape_cast %broadcast_in_dim3A_117 : vector<16x1xi32> to vector<16xi32>
      %gather3A_119 = tpu.dynamic_gather %add3A_50[%gather3A_118] in [0] : vector<16xi32>, vector<16xi32> -> vector<16xi32>
      %add3A_120 = arith.addi %add3A_50, %gather3A_119 : vector<16xi32>
      %xor3A_121 = arith.constant 2 : i32
      %xor3A_122 = vector.broadcast %xor3A_121 : i32 to vector<16xi32>
      %xor3A_123 = arith.xori %iota3A_113, %xor3A_122 : vector<16xi32>
      %broadcast_in_dim3A_124 = vector.shape_cast %xor3A_123 : vector<16xi32> to vector<16x1xi32>
      %gather3A_125 = vector.shape_cast %broadcast_in_dim3A_124 : vector<16x1xi32> to vector<16xi32>
      %gather3A_126 = tpu.dynamic_gather %add3A_120[%gather3A_125] in [0] : vector<16xi32>, vector<16xi32> -> vector<16xi32>
      %add3A_127 = arith.addi %add3A_120, %gather3A_126 : vector<16xi32>
      %xor3A_128 = arith.constant 4 : i32
      %xor3A_129 = vector.broadcast %xor3A_128 : i32 to vector<16xi32>
      %xor3A_130 = arith.xori %iota3A_113, %xor3A_129 : vector<16xi32>
      %broadcast_in_dim3A_131 = vector.shape_cast %xor3A_130 : vector<16xi32> to vector<16x1xi32>
      %gather3A_132 = vector.shape_cast %broadcast_in_dim3A_131 : vector<16x1xi32> to vector<16xi32>
      %gather3A_133 = tpu.dynamic_gather %add3A_127[%gather3A_132] in [0] : vector<16xi32>, vector<16xi32> -> vector<16xi32>
      %add3A_134 = arith.addi %add3A_127, %gather3A_133 : vector<16xi32>
      %xor3A_135 = arith.constant 8 : i32
      %xor3A_136 = vector.broadcast %xor3A_135 : i32 to vector<16xi32>
      %xor3A_137 = arith.xori %iota3A_113, %xor3A_136 : vector<16xi32>
      %broadcast_in_dim3A_138 = vector.shape_cast %xor3A_137 : vector<16xi32> to vector<16x1xi32>
      %gather3A_139 = vector.shape_cast %broadcast_in_dim3A_138 : vector<16x1xi32> to vector<16xi32>
      %gather3A_140 = tpu.dynamic_gather %add3A_134[%gather3A_139] in [0] : vector<16xi32>, vector<16xi32> -> vector<16xi32>
      %add3A_141 = arith.addi %add3A_134, %gather3A_140 : vector<16xi32>
      %convert_element_type3A_142 = arith.sitofp %add3A_141 : vector<16xi32> to vector<16xf32>
      %iota3A_143 = tpu.iota {dimensions = array<i32: 0>} : vector<16xi32>
      %xor3A_144 = arith.constant 1 : i32
      %xor3A_145 = vector.broadcast %xor3A_144 : i32 to vector<16xi32>
      %xor3A_146 = arith.xori %iota3A_143, %xor3A_145 : vector<16xi32>
      %broadcast_in_dim3A_147 = vector.shape_cast %xor3A_146 : vector<16xi32> to vector<16x1xi32>
      %gather3A_148 = vector.shape_cast %broadcast_in_dim3A_147 : vector<16x1xi32> to vector<16xi32>
      %gather3A_149 = tpu.dynamic_gather %add3A_52[%gather3A_148] in [0] : vector<16xi32>, vector<16xi32> -> vector<16xi32>
      %add3A_150 = arith.addi %add3A_52, %gather3A_149 : vector<16xi32>
      %xor3A_151 = arith.constant 2 : i32
      %xor3A_152 = vector.broadcast %xor3A_151 : i32 to vector<16xi32>
      %xor3A_153 = arith.xori %iota3A_143, %xor3A_152 : vector<16xi32>
      %broadcast_in_dim3A_154 = vector.shape_cast %xor3A_153 : vector<16xi32> to vector<16x1xi32>
      %gather3A_155 = vector.shape_cast %broadcast_in_dim3A_154 : vector<16x1xi32> to vector<16xi32>
      %gather3A_156 = tpu.dynamic_gather %add3A_150[%gather3A_155] in [0] : vector<16xi32>, vector<16xi32> -> vector<16xi32>
      %add3A_157 = arith.addi %add3A_150, %gather3A_156 : vector<16xi32>
      %xor3A_158 = arith.constant 4 : i32
      %xor3A_159 = vector.broadcast %xor3A_158 : i32 to vector<16xi32>
      %xor3A_160 = arith.xori %iota3A_143, %xor3A_159 : vector<16xi32>
      %broadcast_in_dim3A_161 = vector.shape_cast %xor3A_160 : vector<16xi32> to vector<16x1xi32>
      %gather3A_162 = vector.shape_cast %broadcast_in_dim3A_161 : vector<16x1xi32> to vector<16xi32>
      %gather3A_163 = tpu.dynamic_gather %add3A_157[%gather3A_162] in [0] : vector<16xi32>, vector<16xi32> -> vector<16xi32>
      %add3A_164 = arith.addi %add3A_157, %gather3A_163 : vector<16xi32>
      %xor3A_165 = arith.constant 8 : i32
      %xor3A_166 = vector.broadcast %xor3A_165 : i32 to vector<16xi32>
      %xor3A_167 = arith.xori %iota3A_143, %xor3A_166 : vector<16xi32>
      %broadcast_in_dim3A_168 = vector.shape_cast %xor3A_167 : vector<16xi32> to vector<16x1xi32>
      %gather3A_169 = vector.shape_cast %broadcast_in_dim3A_168 : vector<16x1xi32> to vector<16xi32>
      %gather3A_170 = tpu.dynamic_gather %add3A_164[%gather3A_169] in [0] : vector<16xi32>, vector<16xi32> -> vector<16xi32>
      %add3A_171 = arith.addi %add3A_164, %gather3A_170 : vector<16xi32>
      %convert_element_type3A_172 = arith.sitofp %add3A_171 : vector<16xi32> to vector<16xf32>
      %iota3A_173 = tpu.iota {dimensions = array<i32: 0>} : vector<16xi32>
      %xor3A_174 = arith.constant 1 : i32
      %xor3A_175 = vector.broadcast %xor3A_174 : i32 to vector<16xi32>
      %xor3A_176 = arith.xori %iota3A_173, %xor3A_175 : vector<16xi32>
      %broadcast_in_dim3A_177 = vector.shape_cast %xor3A_176 : vector<16xi32> to vector<16x1xi32>
      %gather3A_178 = vector.shape_cast %broadcast_in_dim3A_177 : vector<16x1xi32> to vector<16xi32>
      %gather3A_179 = tpu.dynamic_gather %add3A_54[%gather3A_178] in [0] : vector<16xi32>, vector<16xi32> -> vector<16xi32>
      %add3A_180 = arith.addi %add3A_54, %gather3A_179 : vector<16xi32>
      %xor3A_181 = arith.constant 2 : i32
      %xor3A_182 = vector.broadcast %xor3A_181 : i32 to vector<16xi32>
      %xor3A_183 = arith.xori %iota3A_173, %xor3A_182 : vector<16xi32>
      %broadcast_in_dim3A_184 = vector.shape_cast %xor3A_183 : vector<16xi32> to vector<16x1xi32>
      %gather3A_185 = vector.shape_cast %broadcast_in_dim3A_184 : vector<16x1xi32> to vector<16xi32>
      %gather3A_186 = tpu.dynamic_gather %add3A_180[%gather3A_185] in [0] : vector<16xi32>, vector<16xi32> -> vector<16xi32>
      %add3A_187 = arith.addi %add3A_180, %gather3A_186 : vector<16xi32>
      %xor3A_188 = arith.constant 4 : i32
      %xor3A_189 = vector.broadcast %xor3A_188 : i32 to vector<16xi32>
      %xor3A_190 = arith.xori %iota3A_173, %xor3A_189 : vector<16xi32>
      %broadcast_in_dim3A_191 = vector.shape_cast %xor3A_190 : vector<16xi32> to vector<16x1xi32>
      %gather3A_192 = vector.shape_cast %broadcast_in_dim3A_191 : vector<16x1xi32> to vector<16xi32>
      %gather3A_193 = tpu.dynamic_gather %add3A_187[%gather3A_192] in [0] : vector<16xi32>, vector<16xi32> -> vector<16xi32>
      %add3A_194 = arith.addi %add3A_187, %gather3A_193 : vector<16xi32>
      %xor3A_195 = arith.constant 8 : i32
      %xor3A_196 = vector.broadcast %xor3A_195 : i32 to vector<16xi32>
      %xor3A_197 = arith.xori %iota3A_173, %xor3A_196 : vector<16xi32>
      %broadcast_in_dim3A_198 = vector.shape_cast %xor3A_197 : vector<16xi32> to vector<16x1xi32>
      %gather3A_199 = vector.shape_cast %broadcast_in_dim3A_198 : vector<16x1xi32> to vector<16xi32>
      %gather3A_200 = tpu.dynamic_gather %add3A_194[%gather3A_199] in [0] : vector<16xi32>, vector<16xi32> -> vector<16xi32>
      %add3A_201 = arith.addi %add3A_194, %gather3A_200 : vector<16xi32>
      %convert_element_type3A_202 = arith.sitofp %add3A_201 : vector<16xi32> to vector<16xf32>
      %add3A_203 = arith.addf %convert_element_type3A_172, %convert_element_type3A_202 : vector<16xf32>
      %mul3A_204 = arith.constant 1.000000e+03 : f32
      %mul3A_205 = vector.broadcast %mul3A_204 : f32 to vector<16xf32>
      %mul3A_206 = arith.mulf %mul3A_205, %add3A_203 : vector<16xf32>
      %mul3A_207 = arith.constant 2.000000e+00 : f32
      %mul3A_208 = vector.broadcast %mul3A_207 : f32 to vector<16xf32>
      %mul3A_209 = arith.mulf %mul3A_208, %convert_element_type3A_112 : vector<16xf32>
      %mul3A_210 = arith.mulf %mul3A_209, %convert_element_type3A_142 : vector<16xf32>
      %sub3A_211 = arith.subf %mul3A_206, %mul3A_210 : vector<16xf32>
      %mul3A_212 = arith.constant 1.000000e+03 : f32
      %mul3A_213 = vector.broadcast %mul3A_212 : f32 to vector<16xf32>
      %mul3A_214 = arith.mulf %mul3A_213, %convert_element_type3A_82 : vector<16xf32>
      %div3A = arith.divf %mul3A_214, %sub3A_211 : vector<16xf32>
      %sub3A_215 = arith.constant 1.000000e+00 : f32
      %sub3A_216 = vector.broadcast %sub3A_215 : f32 to vector<16xf32>
      %sub3A_217 = arith.subf %sub3A_216, %div3A : vector<16xf32>
      %swap3A = arith.constant 0 : index
      %swap3A_218 = tpu.vector_load %arg7[%swap3A] {strides = array<i32>} : memref<16xf32, #tpu.memory_space<vmem>>, vector<16xf32>,
      %swap3A_219 = vector.shape_cast %swap3A_218 : vector<16xf32> to vector<16xf32>
      %swap3A_220 = vector.shape_cast %sub3A_217 : vector<16xf32> to vector<16xf32>
      tpu.vector_store %arg7[%swap3A], %swap3A_220 {strides = array<i32>} : memref<16xf32, #tpu.memory_space<vmem>>, vector<16xf32>,
      "tpu.region"() ({
        %run_scoped3A = tpu.sem_alloc : memref<!tpu.dma_semaphore, #tpu.memory_space<semaphore_mem>>
        %dma_start3A = arith.constant 0 : i32
        %dma_start3A_221 = tpu.memref_slice %arg7[%dma_start3A] : memref<16xf32, #tpu.memory_space<vmem>> -> memref<1xf32, #tpu.memory_space<vmem>>
        %dma_start3A_222 = arith.constant 0 : i32
        %dma_start3A_223 = tpu.memref_slice %arg7[%dma_start3A_222] : memref<16xf32, #tpu.memory_space<vmem>> -> memref<1xf32, #tpu.memory_space<vmem>>
        tpu.enqueue_dma source(%dma_start3A_223 : memref<1xf32, #tpu.memory_space<vmem>>) target(%arg4 : memref<1xf32, #tpu.memory_space<hbm>>) target_semaphore(%run_scoped3A : memref<!tpu.dma_semaphore, #tpu.memory_space<semaphore_mem>>)
        %dma_wait3A = arith.constant 0 : i32
        %dma_wait3A_224 = tpu.memref_slice %arg7[%dma_wait3A] : memref<16xf32, #tpu.memory_space<vmem>> -> memref<1xf32, #tpu.memory_space<vmem>>
        %dma_wait3A_225 = arith.constant 0 : i32
        %dma_wait3A_226 = tpu.memref_slice %arg7[%dma_wait3A_225] : memref<16xf32, #tpu.memory_space<vmem>> -> memref<1xf32, #tpu.memory_space<vmem>>
        tpu.wait_dma2 semaphore(%run_scoped3A : memref<!tpu.dma_semaphore, #tpu.memory_space<semaphore_mem>>) src(%dma_wait3A_226 : memref<1xf32, #tpu.memory_space<vmem>>) dst(%arg4 : memref<1xf32, #tpu.memory_space<hbm>>)
        tpu.yield
      }) : () -> ()
    } else {
    }
    return
  }
}

</mosaic_0001>

<sc_bundles>
// kernel: kernel.3.cloned.1.call-start
scs
__scs_entry_jumppad:
0x0: {  	(pc) =	sbr.rel $0x88, $3  }
0x1: {  	(tag) =	ssettag $0x0;
	lr =	simm.s32 $0x1  }
0x2: {  	[smem:$0x3F9F] =	sst lr;
	_ =	strace $0xD0000000  }
0x3: {  	_ = 	snop  }
0x4: {  	_ = 	snop  }
0x5: {  	_ = 	snop  }
0x6: {  	_ = 	snop  }
0x7: {  	_ = 	snop  }
__scs_overlays_trampoline_lowered:
0x8: {  	[smem:$0x3FAE] =	sst s0  }
0x9: {  	[smem:$0x3FAF] =	sst s1  }
0xa: {  	[smem:$0x3FB0] =	sst s2  }
0xb: {  	[smem:$0x3FB1] =	sst s3  }
0xc: {  	[smem:$0x3FB2] =	sst s4  }
0xd: {  	[smem:$0x3FB3] =	sst s5  }
0xe: {  	[smem:$0x3FB4] =	sst s6  }
0xf: {  	[smem:$0x3FB5] =	sst s7  }
0x10: {  	[smem:$0x3FB6] =	sst s8  }
0x11: {  	[smem:$0x3FB7] =	sst s9;
	s0 =	simm.s32 @!p0 $0x0  }
0x12: {  	s1 =	sld [smem:$0x3F9D];
	s0 =	simm.s32 @p0 $0x1  }
0x13: {  	[smem:$0x3FB8] =	sst s0;
	s0 =	simm.s32 @!p1 $0x0  }
0x14: {  	s2 =	sld [smem:$0x3F9C];
	s0 =	simm.s32 @p1 $0x1  }
0x15: {  	[smem:$0x3FB9] =	sst s0;
	s0 =	simm.s32 @!p2 $0x0  }
0x16: {  	s3 =	sld [smem:$0x3FDB];
	s0 =	simm.s32 @p2 $0x1  }
0x17: {  	s4 =	simm.s32 $0x1BF5;
	[smem:$0x3FBB] =	sst s0  }
0x18: {  	s0 =	sld [smem:$0x3F9E];
	_ =	swait.ge [sflag:s4], $0x0  }
0x19: {  	s7 =	sld [smem:$0x3F9F]  }
0x1a: {  	s8 =	sadd.s32 $0xFFFFE003, lr  }
0x1b: {  	s9 =	sadd.s32 $0xFFFFFEF7, lr;
	s5 =	simm.s32 $0xFFFFFFFF;
	p2 =	slt.u32 s8, $0xFFFFF086  }
0x1c: {  	p1 =	slt.u32 s9, $0xF7A;
	s5 =	simm.s32 @!p2 $0x0  }
0x1d: {  	s5 =	simm.s32 @p1 $0x1;
	p0 =	seq.s32 s7, s2  }
0x1e: {  	s7 =	smul.u32 @!p0 $0xF7A, s2;
	p2 =	seq.s32 @!p0 s5, $0x0  }
0x1f: {  	s9 =	smul.u32 $0xF7A, s1;
	s8 =	simm.s32 @!p0 $0x1BF5;
	p2 =	por !p2, p0  }
0x20: {  	[sflag:s8] =	ssyncset.s32 @!p0 $0xFFFFF086;
	s6 =	sadd.s32 @!p0 s3, s7;
	s7 =	simm.s32 @!p0 $0x108  }
0x21: {  	s3 =	sadd.s32 s3, s9;
	s6 =	sadd.s32 @!p0 $0x88, s6;
	s7 =	simm.s32 @p2 $0x1082  }
0x22: {  	[simem:s7], [sflag:s8] =	dma.local @!p0 [hbm:s6], $0xF7A  }
0x23: {  	s9 =	sor.u32 $0xD0000000, s2;
	s6 =	simm.s32 $0x108;
	_ =	swait.ge @!p0 [sflag:s8], $0x0  }
0x24: {  	s3 =	sadd.s32 $0x88, s3;
	s6 =	simm.s32 @!p1 $0x1082;
	[sflag:s4] =	ssyncset.s32 $0xFFFFF086  }
0x25: {  	[simem:s6], [sflag:s4] =	dma.local [hbm:s3], $0xF7A  }
0x26: {  	[smem:$0x3F9F] =	sst s1;
	(tag) =	ssettag s2;
	_ =	strace s9  }
0x27: {  	s1 =	sld [smem:$0x3FAF]  }
0x28: {  	s2 =	sld [smem:$0x3FB0]  }
0x29: {  	s4 =	sld [smem:$0x3FB2]  }
0x2a: {  	p0 =	seq.s32 s5, $0x0;
	s5 =	sld [smem:$0x3FB3]  }
0x2b: {  	s6 =	sld [smem:$0x3FB4]  }
0x2c: {  	s7 =	sld [smem:$0x3FB5]  }
0x2d: {  	s3 =	simm.s32 $0x108;
	s8 =	sld [smem:$0x3FB6]  }
0x2e: {  	s3 =	simm.s32 @!p0 $0x1082;
	s9 =	sld [smem:$0x3FB7]  }
0x2f: {  	lr =	sadd.s32 s0, s3;
	s0 =	sld [smem:$0x3FAE]  }
0x30: {  	s3 =	sld [smem:$0x3FB1]  }
0x31: {  	[smem:$0x3FBA] =	sst s10  }
0x32: {  	s10 =	sld [smem:$0x3FB8];
	_ =	sdelay $0x3  }
0x33: {  	p0 =	seq.s32 s10, $0x1;
	s10 =	sld [smem:$0x3FBA];
	_ =	sdelay $0x3  }
0x34: {  	[smem:$0x3FBA] =	sst s10  }
0x35: {  	s10 =	sld [smem:$0x3FB9];
	_ =	sdelay $0x3  }
0x36: {  	p1 =	seq.s32 s10, $0x1;
	s10 =	sld [smem:$0x3FBA];
	_ =	sdelay $0x3  }
0x37: {  	[smem:$0x3FBA] =	sst s10  }
0x38: {  	s10 =	sld [smem:$0x3FBB]  }
0x39: {  	_ = 	snop;
	(pc) =	sbr.ind lr, $3  }
0x3a: {  	_ = 	snop  }
0x3b: {  	_ = 	snop  }
0x3c: {  	p2 =	seq.s32 s10, $0x1;
	s10 =	sld [smem:$0x3FBA]  }
0x3d: {  	_ =	shalt  }
0x3e: {  	_ =	shalt  }
0x3f: {  	_ =	shalt  }
0x40: {  	_ =	shalt  }
0x41: {  	_ =	shalt  }
0x42: {  	_ =	shalt  }
0x43: {  	_ =	shalt  }
0x44: {  	_ =	shalt  }
0x45: {  	_ =	shalt  }
0x46: {  	_ =	shalt  }
0x47: {  	_ =	shalt  }
0x48: {  	_ =	shalt  }
0x49: {  	_ =	shalt  }
0x4a: {  	_ =	shalt  }
0x4b: {  	_ =	shalt  }
0x4c: {  	_ =	shalt  }
0x4d: {  	_ =	shalt  }
0x4e: {  	_ =	shalt  }
0x4f: {  	_ =	shalt  }
0x50: {  	_ =	shalt  }
0x51: {  	_ =	shalt  }
0x52: {  	_ =	shalt  }
0x53: {  	_ =	shalt  }
0x54: {  	_ =	shalt  }
0x55: {  	_ =	shalt  }
0x56: {  	_ =	shalt  }
0x57: {  	_ =	shalt  }
0x58: {  	_ =	shalt  }
0x59: {  	_ =	shalt  }
0x5a: {  	_ =	shalt  }
0x5b: {  	_ =	shalt  }
0x5c: {  	_ =	shalt  }
0x5d: {  	_ =	shalt  }
0x5e: {  	_ =	shalt  }
0x5f: {  	_ =	shalt  }
0x60: {  	_ =	shalt  }
0x61: {  	_ =	shalt  }
0x62: {  	_ =	shalt  }
0x63: {  	_ =	shalt  }
0x64: {  	_ =	shalt  }
0x65: {  	_ =	shalt  }
0x66: {  	_ =	shalt  }
0x67: {  	_ =	shalt  }
0x68: {  	_ =	shalt  }
0x69: {  	_ =	shalt  }
0x6a: {  	_ =	shalt  }
0x6b: {  	_ =	shalt  }
0x6c: {  	_ =	shalt  }
0x6d: {  	_ =	shalt  }
0x6e: {  	_ =	shalt  }
0x6f: {  	_ =	shalt  }
0x70: {  	_ =	shalt  }
0x71: {  	_ =	shalt  }
0x72: {  	_ =	shalt  }
0x73: {  	_ =	shalt  }
0x74: {  	_ =	shalt  }
0x75: {  	_ =	shalt  }
0x76: {  	_ =	shalt  }
0x77: {  	_ =	shalt  }
0x78: {  	_ =	shalt  }
0x79: {  	_ =	shalt  }
0x7a: {  	_ =	shalt  }
0x7b: {  	_ =	shalt  }
0x7c: {  	_ =	shalt  }
0x7d: {  	_ =	shalt  }
0x7e: {  	_ =	shalt  }
0x7f: {  	_ =	shalt  }
0x80: {  	_ =	shalt  }
0x81: {  	_ =	shalt  }
0x82: {  	_ =	shalt  }
0x83: {  	_ =	shalt  }
0x84: {  	_ =	shalt  }
0x85: {  	_ =	shalt  }
0x86: {  	_ =	shalt  }
0x87: {  	_ =	shalt  }
.Lfunc_end0:
.L_simem_size_0:
called_computation_lowered:
.L_overlay_start_0:
0x88: {  	s0 =	sld [smem:$0x3FD9]  }
0x89: {  	s1 =	sld [smem:$0x3FFE];
	_ =	sdelay $0x3  }
0x8a: {  	s0 =	sadd.s32 s1, s0  }
0x8b: {  	[smem:$0x3FC6] =	sst s0  }
0x8c: {  	_ = 	snop  }
0x8d: {  	s0 =	sld [smem:$0x3FC9]  }
0x8e: {  	s17 =	sld [smem:$0x3FC8]  }
0x8f: {  	s2 =	sld [smem:$0x3FD0];
	(tm) =	ssettm $0x1  }
0x90: {  	s3 =	sld [smem:$0x3FFB];
	_ =	sdelay $0x3  }
0x91: {  	_ =	strace s3  }
0x92: {  	s3 =	sld [smem:$0x3FFC];
	_ =	sdelay $0x3  }
0x93: {  	_ =	strace s3  }
0x94: {  	s3 =	sld [smem:$0x3FFD];
	_ =	sdelay $0x3  }
0x95: {  	_ =	strace s3  }
0x96: {  	_ =	strace $0x8FFFFFFF  }
0x97: {  	s18 =	sld [smem:$0x3FDB];
	_ =	sdelay $0x1  }
0x98: {  	s4 =	simm.s32 $_scs_section_size  }
0x99: {  	s5 =	simm.s32 $_size__tile_overlayer_lowered;
	s6 =	simm.s32 $_tile_overlayer_lowered  }
0x9a: {  	s21 =	simm.s32 $0x1BFF;
	s20 =	sshll.u32 s6, $0x1;
	s3 =	sadd.s32 s4, s18  }
0x9b: {  	s7 =	simm.s32 $0x0;
	s19 =	sshll.u32 s5, $0x1;
	s5 =	sadd.s32 s20, s3  }
0x9c: {  	[timem:s7], [sflag:s21] =	dma.local [hbm:s5], s19  }
0x9d: {  	_ =	swait.ge [sflag:s21], s19  }
0x9e: {  	s4 =	ssub.s32 $0x0, s19;
	[sflag:s21] =	ssyncset.done $0x0  }
0x9f: {  	[sflag:s21] =	ssyncadd.s32 s4;
	_ =	sdelay $0x1  }
0xa0: {  	s22 =	simm.s32 $0x1B8B  }
0xa1: {  	_ =	swait.ge [sflag:s22], $0x1  }
0xa2: {  	[sflag:s22] =	ssyncset.done $0x0  }
0xa3: {  	s23 =	simm.s32 $0x1B8E;
	[sflag:s22] =	ssyncadd.s32 $0xFFFFFFFF  }
0xa4: {  	s24 =	simm.s32 $execute0_lowered;
	[smem:$0x3FD2] =	sst s23  }
0xa5: {  	s4 =	sshll.u32 s24, $0x1;
	_ =	strace $0x80000046;
	[dreg:$0x1] =	wrdreg $0xFFFFFFFF  }
0xa6: {  	s25 =	simm.s32 $_size_execute0_lowered;
	s3 =	sadd.s32 s3, s4;
	[dreg:$0x0] =	wrdreg $0x0  }
0xa7: {  	s4 =	sshll.u32 s25, $0x1;
	[dreg:$0x2] =	wrdreg s3  }
0xa8: {  	[dreg:$0x3] =	wrdreg s4  }
0xa9: {  	[dreg:$0x4] =	wrdreg $0xC0  }
0xaa: {  	_ =	task [dreg:s7], $0x5FFFF  }
0xab: {  	[dreg:$0x1] =	wrdreg $0xFFFFFFFF  }
0xac: {  	[dreg:$0x0] =	wrdreg $0x60  }
0xad: {  	[dreg:$0x2] =	wrdreg s0  }
0xae: {  	[dreg:$0x3] =	wrdreg s17  }
0xaf: {  	[dreg:$0x4] =	wrdreg s2  }
0xb0: {  	[dreg:$0x5] =	wrdreg $0x9  }
0xb1: {  	_ =	task.clear_ibuf [dreg:s7], $0x6FFFF;
	_ =	strace $0x90000046  }
0xb2: {  	s26 =	simm.s32 $0x9;
	_ =	strace $0x80000048  }
0xb3: {  	_ =	swait.ge [sflag:s26], $0x1  }
0xb4: {  	[sflag:s26] =	ssyncadd.s32 $0xFFFFFFFF  }
0xb5: {  	_ =	strace $0x90000048  }
0xb6: {  	_ =	sfence  }
0xb7: {  	s28 =	sld [smem:$0x0];
	_ =	sdelay $0x1  }
0xb8: {  	s29 =	srdreg.scid  }
0xb9: {  	s30 =	sshll.u32 s29, $0xD;
	s31 =	sshrl.u32 s29, $0x2  }
0xba: {  	s1 =	sand.u32 $0x1, s29;
	s2 =	sand.u32 $0x4000, s30;
	s0 =	sadd.s32 s31, s28  }
0xbb: {  	s1 =	sor.u32 s2, s1;
	s0 =	sshll.u32 s0, $0x11  }
0xbc: {  	s0 =	sor.u32 s0, s1  }
0xbd: {  	s0 =	sadd.s32 $0x8F2B, s0  }
0xbe: {  	[sflag:s0] =	ssyncadd.remote.s32 $0x1  }
0xbf: {  	_ =	sfence.sel $0xFFFF  }
0xc0: {  	[dreg:$0x0] =	wrdreg $0xFFFFFFFF;
	(pc) =	sbr.abs _section_cstart, $3  }
0xc1: {  	[dreg:$0x1] =	wrdreg $0xFFFFFFFF  }
0xc2: {  	_ =	task.clear_ibuf [dreg:s7], $0x2FFFF;
	_ =	strace $0x9FFFFFFF  }
0xc3: {  	(tm) =	ssettm $0x7FFFFFFF  }
tec
execute0_lowered:
.L_overlay_start_1:
0x0: {  	(tag) =	ssettag $0x1  }
0x1: {  	s3 =	rddreg [dreg:$0x0]  }
0x2: {  	s2 =	rddreg [dreg:$0x1]  }
0x3: {  	s1 =	rddreg [dreg:$0x2];
	s4 =	stileid.u32  }
0x4: {  	s0 =	rddreg [dreg:$0x3];
	_ =	strace $0x80000047;
	p0 =	sne.s32 s4, $0x0  }
0x5: {  	_ =	sfence.sel @p0 $0x180000  }
0x6: {  	[bflag:$0x0] =	sbarrier.arrive @p0 $0xFFFF  }
0x7: {  	_ =	strace @p0 $0x90000047  }
0x8: {  	[bflag:$0x2] =	sbarrier.arrive @p0 $0xFFFF  }
0x9: {  	_ =	shalt @p0  }
.LBB2_1:
0xa: {  	s4 =	simm.s32 $0x0  }
0xb: {  	[tilespmem:s4], [sflag:$0x1] =	stream.linear.gather [hbm4b:s3+s4], $0x400, $0x38;
	[tilespmem:$0x880] =	vst v63  }
0xc: {  	s28 =	simm.s32 $0x400;
	s29 =	simm.s32 $0x1  }
0xd: {  	[tilespmem:s28], [sflag:$0x2] =	stream.linear.gather [hbm4b:s2+s4], $0x400, $0x38;
	[tilespmem:$0x880] =	vst v63  }
0xe: {  	_ =	swait.ge [sflag:s29], $0x400  }
0xf: {  	[sflag:s29] =	ssyncset.done $0x0  }
0x10: {  	s30 =	simm.s32 $0x2;
	[sflag:s29] =	ssyncadd.s32 $0xFFFFFC00  }
0x11: {  	_ =	swait.ge [sflag:s30], $0x400  }
0x12: {  	[sflag:s30] =	ssyncset.done $0x0  }
0x13: {  	s31 =	simm.s32 $0x0;
	[sflag:s30] =	ssyncadd.s32 $0xFFFFFC00  }
0x14: {  	v2 =	vld [tilespmem:s31+$0x430]  }
0x15: {  	v0 =	vld [tilespmem:s31+$0x30]  }
0x16: {  	v6 =	vld [tilespmem:s31+$0x420]  }
0x17: {  	v1 =	vld [tilespmem:s31+$0x20]  }
0x18: {  	v5 =	vld [tilespmem:s31+$0x410]  }
0x19: {  	v10 =	vld [tilespmem:s31+$0x400]  }
0x1a: {  	v4 =	vld [tilespmem:s31+$0x0]  }
0x1b: {  	v11 =	vimm.s32 $0x0;
	v3 =	vld [tilespmem:s31+$0x10]  }
0x1c: {  	v12 =	vimm.s32 $0x0;
	v9 =	vimm.s32 $0x0;
	v7 =	vimm.s32 $0x0  }
0x1d: {  	v8 =	vimm.s32 $0x0;
	s2 =	simm.s32 $0x100;
	v16 =	vmovc v6;
	v13 =	vmovc v2;
	v14 =	vmov v0;
	v15 =	vmov v1  }
.LBB2_2:
0x1e: {  	p0 =	sne.s32 s2, $0xE00;
	v17 =	vmul.u32 v16, v6;
	v18 =	vmul.u32 v13, v2;
	v19 =	vmul.u32 v14, v0  }
0x1f: {  	s3 =	sshra.s32 s2, $0x2;
	v20 =	vmul.u32 v15, v1;
	v21 =	vsub.s32 v2, v0;
	v14 =	vsub.s32 v10, v4  }
0x20: {  	v22 =	vmul.u32 v5, v5;
	v13 =	vld [tilespmem:s3+$0x430];
	v15 =	vmul.u32 v14, v14;
	v16 =	vsub.s32 v5, v3  }
0x21: {  	v23 =	vmul.u32 v10, v10;
	v25 =	vsub.s32 v6, v1;
	v14 =	vld [tilespmem:s3+$0x30];
	v24 =	vmul.u32 v16, v16  }
0x22: {  	v10 =	vadd.s32 v12, v10;
	v12 =	vmul.u32 v25, v25;
	v16 =	vld [tilespmem:s3+$0x420];
	v11 =	vadd.s32 v11, v15  }
0x23: {  	v21 =	vmul.u32 v21, v21;
	v10 =	vadd.s32 v5, v10;
	v15 =	vld [tilespmem:s3+$0x20];
	v11 =	vadd.s32 v24, v11  }
0x24: {  	v6 =	vadd.s32 v6, v10;
	v24 =	vmul.u32 v4, v4;
	v5 =	vld [tilespmem:s3+$0x410];
	v11 =	vadd.s32 v12, v11  }
.Ltmp0:
0x25: {  	v25 =	vmul.u32 v3, v3;
	v12 =	vadd.s32 v2, v6;
	v10 =	vld [tilespmem:s3+$0x400];
	v11 =	vadd.s32 v21, v11;
	v2 =	vmovc v13;
	(pc) =	sbr.rel @p0 .LBB2_2-.Ltmp0, $4  }
0x26: {  	v7 =	vadd.s32 v7, v23;
	v21 =	vadd.s32 v9, v4;
	v8 =	vadd.s32 v8, v24;
	v4 =	vld [tilespmem:s3+$0x0]  }
0x27: {  	v7 =	vadd.s32 v22, v7;
	v9 =	vadd.s32 v3, v21;
	v8 =	vadd.s32 v25, v8;
	v3 =	vld [tilespmem:s3+$0x10];
	v6 =	vmovc v16  }
0x28: {  	v7 =	vadd.s32 v17, v7;
	v9 =	vadd.s32 v1, v9;
	v8 =	vadd.s32 v20, v8;
	v1 =	vmovc v15  }
0x29: {  	s2 =	sadd.s32 $0x100, s2;
	v7 =	vadd.s32 v18, v7;
	v9 =	vadd.s32 v0, v9;
	v8 =	vadd.s32 v19, v8;
	v0 =	vmovc v14  }
0x2a: {  	v16 =	vmul.u32 v16, v6;
	v13 =	vmul.u32 v13, v2;
	v14 =	vmul.u32 v14, v0  }
0x2b: {  	v15 =	vmul.u32 v15, v1;
	v18 =	vsub.s32 v2, v0;
	v20 =	vmul.u32 v5, v5  }
0x2c: {  	v21 =	vmul.u32 v10, v10;
	v22 =	vsub.s32 v6, v1;
	v52 =	vadd.s32 v12, v10  }
0x2d: {  	v54 =	vld [tilespmem:$0x7C0];
	vm0 =	vmmov $0xff;
	v34 =	vimm.s32 $0xEFCDAB89;
	v37 =	vimm.s32 $0x67452301  }
0x2e: {  	v38 =	vimm.s32 $0xDCFE98BA;
	v39 =	vimm.s32 $0x54761032;
	v40 =	vimm.s32 $0xBA98FEDC  }
0x2f: {  	v41 =	vimm.s32 $0x32107654;
	v45 =	vimm.s32 $0xFEDCBA98;
	v46 =	vimm.s32 $0x76543210  }
0x30: {  	v57 =	vld [tilespmem:$0x3C0];
	v17 =	vsub.s32 v10, v4;
	v53 =	vmul.u32 v22, v22;
	v55 =	vadd.s32 v5, v52  }
0x31: {  	v59 =	vld [tilespmem:$0x7D0];
	v56 =	vmul.u32 v18, v18;
	v58 =	vmul.u32 v4, v4;
	v63 =	vadd.s32 v9, v4  }
0x32: {  	v62 =	vld [tilespmem:$0x3D0];
	v9 =	vunpack.c.l.s4.s8 v38;
	v12 =	vunpack.c.l.s4.s8 v41;
	v17 =	vmul.u32 v17, v17  }
0x33: {  	v19 =	vsub.s32 v5, v3;
	v5 =	vadd.s32 v6, v55;
	v60 =	vmul.u32 v3, v3  }
0x34: {  	v28 =	vld [tilespmem:$0x7D8];
	v7 =	vadd.s32 v7, v21;
	v19 =	vmul.u32 v19, v19;
	v61 =	vadd.s32 v2, v5  }
0x35: {  	v31 =	vld [tilespmem:$0x3D8];
	v8 =	vadd.s32 v8, v58;
	v9 =	vunpack.c.0.s8.s32 v9;
	v11 =	vadd.s32 v11, v17  }
0x36: {  	v44 =	vunpack.c.0.s8.s32 v12;
	v11 =	vadd.s32 v19, v11;
	v19 =	vadd.s32 v20, v7  }
0x37: {  	v20 =	vadd.s32 v60, v8;
	v26 =	vsub.s32 v54, v57;
	v27 =	vsub.s32 v59, v62  }
0x38: {  	v29 =	vmul.u32 v54, v54;
	v30 =	vmul.u32 v57, v57;
	v2 =	vadd.s32 v61, v54  }
0x39: {  	v6 =	vmul.u32 v59, v59;
	v5 =	vmul.u32 v62, v62;
	v32 =	vsel vm0, $0x0, v28  }
0x3a: {  	v35 =	vsel vm0, $0x0, v31;
	v8 =	vunpack.c.l.s4.s8 v34;
	v11 =	vadd.s32 v53, v11  }
0x3b: {  	v22 =	vadd.s32 v16, v19;
	v23 =	vadd.s32 v15, v20;
	v7 =	vmul.u32 v27, v27  }
0x3c: {  	v2 =	vadd.s32 v59, v2;
	v33 =	vmul.u32 v32, v32;
	v42 =	vmul.u32 v35, v35  }
0x3d: {  	v10 =	vadd.s32 v56, v11;
	v11 =	vadd.s32 v3, v63;
	v25 =	vadd.s32 v13, v22  }
0x3e: {  	v4 =	vadd.s32 v14, v23;
	v3 =	vmul.u32 v26, v26;
	v2 =	vadd.s32 v32, v2  }
0x3f: {  	v36 =	vunpack.c.0.s8.s32 v8;
	v8 =	vunpack.c.l.s4.s8 v37;
	v21 =	vadd.s32 v1, v11  }
0x40: {  	v1 =	vadd.s32 v25, v29;
	v4 =	vadd.s32 v4, v30;
	v11 =	vunpack.c.l.s4.s8 v40  }
0x41: {  	v24 =	vadd.s32 v0, v21;
	v3 =	vadd.s32 v10, v3;
	v1 =	vadd.s32 v6, v1  }
0x42: {  	v4 =	vadd.s32 v5, v4;
	v10 =	vunpack.c.l.s4.s8 v39;
	v8 =	vunpack.c.0.s8.s32 v8  }
0x43: {  	v5 =	vsub.s32 v32, v35;
	v0 =	vadd.s32 v24, v57;
	v1 =	vadd.s32 v33, v1  }
0x44: {  	v43 =	vunpack.c.0.s8.s32 v11;
	v4 =	vadd.s32 v42, v4;
	v11 =	vunpack.c.l.s4.s8 v46  }
0x45: {  	v0 =	vadd.s32 v62, v0;
	v10 =	vunpack.c.0.s8.s32 v10;
	v6 =	vcombine.low v8, v36  }
0x46: {  	v0 =	vadd.s32 v35, v0;
	v8 =	vcombine.low v44, v43;
	v11 =	vunpack.c.0.s8.s32 v11  }
0x47: {  	v9 =	vcombine.low v10, v9;
	v6 =	vand.u32 $0xF, v6;
	v10 =	vunpack.c.l.s4.s8 v45  }
0x48: {  	v47 =	vperm.xlane v2, v6;
	v8 =	vand.u32 $0xF, v8;
	v48 =	vperm.xlane v1, v6  }
0x49: {  	v13 =	vperm.xlane v4, v6;
	v50 =	vperm.xlane v0, v6;
	v9 =	vand.u32 $0xF, v9  }
0x4a: {  	v10 =	vunpack.c.0.s8.s32 v10;
	v2 =	vadd.s32 v2, v47;
	v1 =	vadd.s32 v1, v48  }
0x4b: {  	v4 =	vadd.s32 v4, v13;
	v0 =	vadd.s32 v0, v50;
	v49 =	vperm.xlane v2, v9  }
0x4c: {  	v10 =	vand.u32 $0xF, v10;
	v12 =	vperm.xlane v1, v9;
	v13 =	vperm.xlane v4, v9  }
0x4d: {  	v52 =	vperm.xlane v0, v9;
	v10 =	vcombine.low v10, v11;
	v2 =	vadd.s32 v49, v2  }
0x4e: {  	v1 =	vadd.s32 v12, v1;
	v4 =	vadd.s32 v13, v4;
	v51 =	vperm.xlane v2, v8  }
0x4f: {  	v0 =	vadd.s32 v52, v0;
	v53 =	vperm.xlane v1, v8;
	v54 =	vperm.xlane v4, v8  }
0x50: {  	v3 =	vadd.s32 v7, v3;
	v56 =	vperm.xlane v0, v8;
	v2 =	vadd.s32 v51, v2  }
0x51: {  	v1 =	vadd.s32 v53, v1;
	v4 =	vadd.s32 v54, v4;
	v55 =	vperm.xlane v2, v10  }
0x52: {  	v0 =	vadd.s32 v56, v0;
	v57 =	vperm.xlane v1, v10;
	v58 =	vperm.xlane v4, v10  }
0x53: {  	v5 =	vmul.u32 v5, v5;
	v59 =	vperm.xlane v0, v10;
	v2 =	vadd.s32 v55, v2  }
0x54: {  	v1 =	vadd.s32 v57, v1;
	v4 =	vadd.s32 v58, v4;
	v2 =	vcvt.s32.f32 v2  }
0x55: {  	v3 =	vadd.s32 v5, v3;
	v1 =	vcvt.s32.f32 v1;
	v4 =	vcvt.s32.f32 v4  }
0x56: {  	v5 =	vperm.xlane v3, v6;
	v0 =	vadd.s32 v59, v0  }
0x57: {  	v0 =	vcvt.s32.f32 v0;
	v1 =	vadd.f32 v4, v1;
	v2 =	vadd.f32 v2, v2;
	_ =	sdelay $0x1  }
0x58: {  	v3 =	vadd.s32 v5, v3;
	v1 =	vmul.f32 $1.000000000e+03, v1;
	v0 =	vmul.f32 v0, v2  }
0x59: {  	v60 =	vperm.xlane v3, v9  }
0x5a: {  	v0 =	vsub.f32 v1, v0  }
0x5b: {  	v61 =	vadd.s32 v60, v3  }
0x5c: {  	v2 =	vperm.xlane v61, v8;
	(erf) = vrcp.f32 v0;
	_ =	sdelay $0x1  }
0x5d: {  	v62 =	vadd.s32 v2, v61  }
0x5e: {  	v1 =	vperm.xlane v62, v10;
	_ =	sdelay $0x1  }
0x5f: {  	v0 =	vadd.s32 v1, v62  }
0x60: {  	v0 =	vcvt.s32.f32 v0;
	_ =	sdelay $0x1  }
0x61: {  	v0 =	vmul.f32 $1.000000000e+03, v0  }
0x62: {  	v63 =	vpop (erf)  }
0x63: {  	v0 =	vmul.f32 v63, v0;
	_ =	sdelay $0x1  }
0x64: {  	v0 =	vsub.f32 $1.000000000e+00, v0;
	_ =	sdelay $0x1  }
0x65: {  	s2 =	simm.s32 $0x0;
	s3 =	simm.s32 $0x800;
	s31 =	simm.s32 $0x3;
	[tilespmem:$0x800] =	vst v0  }
0x66: {  	[hbm4b:s1+s2] =	stream.linear.scatter [tilespmem:s3], [sflag:$0x3], $0x1, $0x38;
	[tilespmem:$0x880] =	vst v63  }
0x67: {  	_ =	swait.ge [sflag:s31], $0x1  }
0x68: {  	[sflag:s31] =	ssyncset.done $0x0  }
0x69: {  	[sflag:s31] =	ssyncadd.s32 $0xFFFFFFFF  }
0x6a: {  	_ =	sfence.sel $0x180000  }
0x6b: {  	[bflag:$0x0] =	sbarrier.arrive $0xFFFF  }
0x6c: {  	_ =	strace $0x90000047  }
0x6d: {  	s0 =	sadd.s32 $0x100000, s0;
	[bflag:$0x2] =	sbarrier.arrive $0xFFFF  }
0x6e: {  	[sflag:s0] =	ssyncadd.tile.s32 $0x1;
	_ =	shalt  }
.Lfunc_end2:
_tile_overlayer_lowered:
.L_overlay_start_2:
0x6f: {  	(tag) =	ssettag $0x2  }
0x70: {  	s0 =	rddreg [dreg:$0x0];
	s2 =	stileid.u32  }
0x71: {  	s1 =	rddreg [dreg:$0x1];
	p0 =	sne.s32 s2, $0x0  }
0x72: {  	s3 =	rddreg [dreg:$0x2];
	[bflag:$0x3] =	sbarrier.arrive $0xFFFF;
	s2 =	simm.s32 @!p0 $0x1C03  }
0x73: {  	[timem:s3], [sflag:s2] =	dma.local @!p0 [hbm:s0], s1  }
0x74: {  	s0 =	simm.s32 @!p0 $0x3  }
0x75: {  	_ =	swait.ge @!p0 [sflag:s0], s1  }
0x76: {  	s1 =	ssub.s32 @!p0 $0x0, s1;
	[sflag:s0] =	ssyncset.done @!p0 $0x0  }
0x77: {  	[sflag:s0] =	ssyncadd.s32 @!p0 s1  }
0x78: {  	[bflag:$0x3] =	sbarrier.arrive $0xFFFF  }
0x79: {  	_ =	shalt  }

</sc_bundles>
